<compile_context>
chip_gen: v7x
topology: tpu7x:2x2x1
jax: 0.10.2.dev20260603
libtpu: 0.0.44.dev20260713+nightly
codegen_flags: <defaults>
</compile_context>

<pallas_src>
import functools

import jax
import jax.numpy as jnp
from jax import lax
from jax.experimental import pallas as pl
from jax.experimental.pallas import tpu as pltpu
from jax.experimental.pallas import tpu_sc as plsc

_N = 1_000_000
_BLK = 114_688
_GRID = -(-_N // _BLK)


def _copy_body(*refs):
    n = len(refs) // 2
    for i in range(n):
        refs[n + i][...] = refs[i][...]


def _tc_copy(args):
    specs = [pl.BlockSpec((a.shape[0], _BLK), lambda i: (0, i)) for a in args]
    out_shape = tuple(jax.ShapeDtypeStruct(a.shape, a.dtype) for a in args)
    return pl.pallas_call(
        _copy_body,
        grid=(_GRID,),
        out_shape=out_shape,
        in_specs=specs,
        out_specs=specs,
    )(*args)


def _sc_copy(z, vox, filt):
    mesh = plsc.ScalarSubcoreMesh(axis_name="core", num_cores=2)

    @functools.partial(
        pl.kernel,
        out_type=(jax.ShapeDtypeStruct(z.shape, z.dtype),
                  jax.ShapeDtypeStruct(vox.shape, vox.dtype),
                  jax.ShapeDtypeStruct(filt.shape, filt.dtype)),
        mesh=mesh,
        scratch_types=[pltpu.SemaphoreType.DMA((2,))],
    )
    def k(z_ref, v_ref, f_ref, zo, vo, fo, sems):
        cid = lax.axis_index("core")

        @pl.when(cid == 0)
        def _():
            c0 = pltpu.make_async_copy(z_ref, zo, sems.at[0])
            c1 = pltpu.make_async_copy(f_ref, fo, sems.at[1])
            c0.start()
            c1.start()
            c0.wait()
            c1.wait()

        @pl.when(cid == 1)
        def _():
            c = pltpu.make_async_copy(v_ref, vo, sems.at[0])
            c.start()
            c.wait()

    return k(z, vox, filt)


def kernel(new_xyz, new_colors, new_rots, new_scales, new_z_values,
           new_trackable_filter, new_voxel_index):
    wide = (new_xyz.T, new_colors.T, new_rots.T, new_scales.T)
    xyz_t, colors_t, rots_t, scales_t = _tc_copy(wide)
    z_out, vox_out, filt_out = _sc_copy(new_z_values, new_voxel_index,
                                        new_trackable_filter)
    return (xyz_t.T, colors_t.T, rots_t.T, scales_t.T, z_out, filt_out,
            vox_out)

# --- scband reference (transcript-rebuilt; emitter-appended) ---
"""Pipeline reference for scband-shared-gaussians-70617852281062 (READ-ONLY COPY).

The authoritative reference and input builder live on the scoring server;
editing this copy changes nothing except your own understanding.
"""

import jax, jax.numpy as jnp
import numpy as np

NUM_POINTS = 4_000_000
B = 1_000_000
F = 250_000


def setup_inputs(seed: int = 0) -> dict:
    key = jax.random.key(seed)
    ks = jax.random.split(key, 7)
    return {
        "new_xyz": jax.random.normal(ks[0], (B, 3), dtype=jnp.float32),
        "new_colors": jax.random.uniform(ks[1], (B, 3), dtype=jnp.float32),
        "new_rots": jax.random.normal(ks[2], (B, 4), dtype=jnp.float32),
        "new_scales": jax.random.uniform(ks[3], (B, 3), dtype=jnp.float32),
        "new_z_values": jax.random.uniform(ks[4], (B,), dtype=jnp.float32),
        "new_trackable_filter": jax.random.randint(ks[5], (F,), 0, B).astype(jnp.int64),
        "new_voxel_index": jax.random.randint(ks[6], (B,), 0, NUM_POINTS, dtype=jnp.int32),
    }


def reference(new_xyz, new_colors, new_rots, new_scales, new_z_values,
              new_trackable_filter, new_voxel_index):
    # Mirrors SharedGaussians.input_values: scatter-overwrite new values into
    # the leading slice of preallocated zero buffers, then get_values: read back
    # the written slices.
    n = new_xyz.shape[0]
    f = new_trackable_filter.shape[0]

    xyz = jnp.zeros((NUM_POINTS, 3), dtype=jnp.float32).at[:n].set(new_xyz)
    colors = jnp.zeros((NUM_POINTS, 3), dtype=jnp.float32).at[:n].set(new_colors)
    rots = jnp.zeros((NUM_POINTS, 4), dtype=jnp.float32).at[:n].set(new_rots)
    scales = jnp.zeros((NUM_POINTS, 3), dtype=jnp.float32).at[:n].set(new_scales)
    z_values = jnp.zeros((NUM_POINTS,), dtype=jnp.float32).at[:n].set(new_z_values)
    trackable_filter = jnp.zeros((NUM_POINTS,), dtype=new_trackable_filter.dtype).at[:f].set(new_trackable_filter)
    voxel_index = jnp.zeros((NUM_POINTS,), dtype=jnp.int32).at[:n].set(new_voxel_index)

    # get_values() equivalent (copies of the active slices)
    return (xyz[:n], colors[:n], rots[:n], scales[:n], z_values[:n],
            trackable_filter[:f], voxel_index[:n])

if __name__ == "__main__":
    import jax
    _d = setup_inputs()
    print(jax.jit(kernel)(*tuple(_d.values())))

</pallas_src>

<mosaic_0001>
#map = affine_map<(d0) -> (0)>
module attributes {stable_mosaic.version = 14 : i64} {
  func.func @k(%arg0: i32, %arg1: memref<1000000xf32, #tpu.memory_space<hbm>>, %arg2: memref<1000000xi32, #tpu.memory_space<hbm>>, %arg3: memref<250000xi32, #tpu.memory_space<hbm>>, %arg4: memref<1000000xf32, #tpu.memory_space<hbm>>, %arg5: memref<1000000xi32, #tpu.memory_space<hbm>>, %arg6: memref<250000xi32, #tpu.memory_space<hbm>>, %arg7: memref<2x!tpu.dma_semaphore, #tpu.memory_space<semaphore_mem>>) attributes {dimension_semantics = [#tpu.dimension_semantics<core_parallel>], iteration_bounds = array<i64: 2>, scalar_prefetch = 0 : i64, scratch_operands = 1 : i64, tpu.core_type = #tpu.core_type<sc_scalar_subcore>, window_params = [{transform_indices = #map}, {transform_indices = #map}, {transform_indices = #map}, {transform_indices = #map}, {transform_indices = #map}, {transform_indices = #map}]} {
    %eq3A = arith.constant 0 : i32
    %eq3A_0 = arith.cmpi eq, %arg0, %eq3A : i32
    %convert_element_type3A = arith.extui %eq3A_0 : i1 to i32
    %cond3A = arith.constant 0 : i32
    %cond3A_1 = arith.cmpi ne, %convert_element_type3A, %cond3A : i32
    scf.if %cond3A_1 {
      %dma_start3A = arith.constant 0 : i32
      %dma_start3A_7 = tpu.memref_slice %arg7[%dma_start3A] : memref<2x!tpu.dma_semaphore, #tpu.memory_space<semaphore_mem>> -> memref<1x!tpu.dma_semaphore, #tpu.memory_space<semaphore_mem>>
      %dma_start3A_8 = tpu.memref_squeeze %dma_start3A_7 : memref<1x!tpu.dma_semaphore, #tpu.memory_space<semaphore_mem>> -> memref<!tpu.dma_semaphore, #tpu.memory_space<semaphore_mem>>
      tpu.enqueue_dma source(%arg1 : memref<1000000xf32, #tpu.memory_space<hbm>>) target(%arg4 : memref<1000000xf32, #tpu.memory_space<hbm>>) target_semaphore(%dma_start3A_8 : memref<!tpu.dma_semaphore, #tpu.memory_space<semaphore_mem>>)
      %dma_start3A_9 = arith.constant 1 : i32
      %dma_start3A_10 = tpu.memref_slice %arg7[%dma_start3A_9] : memref<2x!tpu.dma_semaphore, #tpu.memory_space<semaphore_mem>> -> memref<1x!tpu.dma_semaphore, #tpu.memory_space<semaphore_mem>>
      %dma_start3A_11 = tpu.memref_squeeze %dma_start3A_10 : memref<1x!tpu.dma_semaphore, #tpu.memory_space<semaphore_mem>> -> memref<!tpu.dma_semaphore, #tpu.memory_space<semaphore_mem>>
      tpu.enqueue_dma source(%arg3 : memref<250000xi32, #tpu.memory_space<hbm>>) target(%arg6 : memref<250000xi32, #tpu.memory_space<hbm>>) target_semaphore(%dma_start3A_11 : memref<!tpu.dma_semaphore, #tpu.memory_space<semaphore_mem>>)
      %dma_wait3A = arith.constant 0 : i32
      %dma_wait3A_12 = tpu.memref_slice %arg7[%dma_wait3A] : memref<2x!tpu.dma_semaphore, #tpu.memory_space<semaphore_mem>> -> memref<1x!tpu.dma_semaphore, #tpu.memory_space<semaphore_mem>>
      %dma_wait3A_13 = tpu.memref_squeeze %dma_wait3A_12 : memref<1x!tpu.dma_semaphore, #tpu.memory_space<semaphore_mem>> -> memref<!tpu.dma_semaphore, #tpu.memory_space<semaphore_mem>>
      tpu.wait_dma2 semaphore(%dma_wait3A_13 : memref<!tpu.dma_semaphore, #tpu.memory_space<semaphore_mem>>) src(%arg1 : memref<1000000xf32, #tpu.memory_space<hbm>>) dst(%arg4 : memref<1000000xf32, #tpu.memory_space<hbm>>)
      %dma_wait3A_14 = arith.constant 1 : i32
      %dma_wait3A_15 = tpu.memref_slice %arg7[%dma_wait3A_14] : memref<2x!tpu.dma_semaphore, #tpu.memory_space<semaphore_mem>> -> memref<1x!tpu.dma_semaphore, #tpu.memory_space<semaphore_mem>>
      %dma_wait3A_16 = tpu.memref_squeeze %dma_wait3A_15 : memref<1x!tpu.dma_semaphore, #tpu.memory_space<semaphore_mem>> -> memref<!tpu.dma_semaphore, #tpu.memory_space<semaphore_mem>>
      tpu.wait_dma2 semaphore(%dma_wait3A_16 : memref<!tpu.dma_semaphore, #tpu.memory_space<semaphore_mem>>) src(%arg3 : memref<250000xi32, #tpu.memory_space<hbm>>) dst(%arg6 : memref<250000xi32, #tpu.memory_space<hbm>>)
    } else {
    }
    %eq3A_2 = arith.constant 1 : i32
    %eq3A_3 = arith.cmpi eq, %arg0, %eq3A_2 : i32
    %convert_element_type3A_4 = arith.extui %eq3A_3 : i1 to i32
    %cond3A_5 = arith.constant 0 : i32
    %cond3A_6 = arith.cmpi ne, %convert_element_type3A_4, %cond3A_5 : i32
    scf.if %cond3A_6 {
      %dma_start3A = arith.constant 0 : i32
      %dma_start3A_7 = tpu.memref_slice %arg7[%dma_start3A] : memref<2x!tpu.dma_semaphore, #tpu.memory_space<semaphore_mem>> -> memref<1x!tpu.dma_semaphore, #tpu.memory_space<semaphore_mem>>
      %dma_start3A_8 = tpu.memref_squeeze %dma_start3A_7 : memref<1x!tpu.dma_semaphore, #tpu.memory_space<semaphore_mem>> -> memref<!tpu.dma_semaphore, #tpu.memory_space<semaphore_mem>>
      tpu.enqueue_dma source(%arg2 : memref<1000000xi32, #tpu.memory_space<hbm>>) target(%arg5 : memref<1000000xi32, #tpu.memory_space<hbm>>) target_semaphore(%dma_start3A_8 : memref<!tpu.dma_semaphore, #tpu.memory_space<semaphore_mem>>)
      %dma_wait3A = arith.constant 0 : i32
      %dma_wait3A_9 = tpu.memref_slice %arg7[%dma_wait3A] : memref<2x!tpu.dma_semaphore, #tpu.memory_space<semaphore_mem>> -> memref<1x!tpu.dma_semaphore, #tpu.memory_space<semaphore_mem>>
      %dma_wait3A_10 = tpu.memref_squeeze %dma_wait3A_9 : memref<1x!tpu.dma_semaphore, #tpu.memory_space<semaphore_mem>> -> memref<!tpu.dma_semaphore, #tpu.memory_space<semaphore_mem>>
      tpu.wait_dma2 semaphore(%dma_wait3A_10 : memref<!tpu.dma_semaphore, #tpu.memory_space<semaphore_mem>>) src(%arg2 : memref<1000000xi32, #tpu.memory_space<hbm>>) dst(%arg5 : memref<1000000xi32, #tpu.memory_space<hbm>>)
    } else {
    }
    return
  }
}

module attributes {stable_mosaic.version = 14 : i64} {
  func.func @_copy_body(%arg0: i32, %arg1: memref<3x114688xf32, #tpu.memory_space<vmem>>, %arg2: memref<3x114688xf32, #tpu.memory_space<vmem>>, %arg3: memref<4x114688xf32, #tpu.memory_space<vmem>>, %arg4: memref<3x114688xf32, #tpu.memory_space<vmem>>, %arg5: memref<3x114688xf32, #tpu.memory_space<vmem>>, %arg6: memref<3x114688xf32, #tpu.memory_space<vmem>>, %arg7: memref<4x114688xf32, #tpu.memory_space<vmem>>, %arg8: memref<3x114688xf32, #tpu.memory_space<vmem>>) attributes {dimension_semantics = [#tpu.dimension_semantics<arbitrary>], iteration_bounds = array<i64: 9>, scalar_prefetch = 0 : i64, scratch_operands = 0 : i64, tpu.core_type = #tpu.core_type<tc>, window_params = [{transform_indices = @transform_0, window_bounds = array<i64: 3, 114688>}, {transform_indices = @transform_1, window_bounds = array<i64: 3, 114688>}, {transform_indices = @transform_2, window_bounds = array<i64: 4, 114688>}, {transform_indices = @transform_3, window_bounds = array<i64: 3, 114688>}, {transform_indices = @transform_4, window_bounds = array<i64: 3, 114688>}, {transform_indices = @transform_5, window_bounds = array<i64: 3, 114688>}, {transform_indices = @transform_6, window_bounds = array<i64: 4, 114688>}, {transform_indices = @transform_7, window_bounds = array<i64: 3, 114688>}]} {
    %get3A = arith.constant 0 : index
    %get3A_0 = arith.constant 0 : index
    %get3A_1 = vector.load %arg1[%get3A, %get3A_0] : memref<3x114688xf32, #tpu.memory_space<vmem>>, vector<3x114688xf32>
    %swap3A = arith.constant 0 : index
    %swap3A_2 = arith.constant 0 : index
    %swap3A_3 = vector.load %arg5[%swap3A, %swap3A_2] : memref<3x114688xf32, #tpu.memory_space<vmem>>, vector<3x114688xf32>
    tpu.vector_store %arg5[%swap3A, %swap3A_2], %get3A_1 {strides = array<i32>} : memref<3x114688xf32, #tpu.memory_space<vmem>>, vector<3x114688xf32>,
    %get3A_4 = arith.constant 0 : index
    %get3A_5 = arith.constant 0 : index
    %get3A_6 = vector.load %arg2[%get3A_4, %get3A_5] : memref<3x114688xf32, #tpu.memory_space<vmem>>, vector<3x114688xf32>
    %swap3A_7 = arith.constant 0 : index
    %swap3A_8 = arith.constant 0 : index
    %swap3A_9 = vector.load %arg6[%swap3A_7, %swap3A_8] : memref<3x114688xf32, #tpu.memory_space<vmem>>, vector<3x114688xf32>
    tpu.vector_store %arg6[%swap3A_7, %swap3A_8], %get3A_6 {strides = array<i32>} : memref<3x114688xf32, #tpu.memory_space<vmem>>, vector<3x114688xf32>,
    %get3A_10 = arith.constant 0 : index
    %get3A_11 = arith.constant 0 : index
    %get3A_12 = vector.load %arg3[%get3A_10, %get3A_11] : memref<4x114688xf32, #tpu.memory_space<vmem>>, vector<4x114688xf32>
    %swap3A_13 = arith.constant 0 : index
    %swap3A_14 = arith.constant 0 : index
    %swap3A_15 = vector.load %arg7[%swap3A_13, %swap3A_14] : memref<4x114688xf32, #tpu.memory_space<vmem>>, vector<4x114688xf32>
    tpu.vector_store %arg7[%swap3A_13, %swap3A_14], %get3A_12 {strides = array<i32>} : memref<4x114688xf32, #tpu.memory_space<vmem>>, vector<4x114688xf32>,
    %get3A_16 = arith.constant 0 : index
    %get3A_17 = arith.constant 0 : index
    %get3A_18 = vector.load %arg4[%get3A_16, %get3A_17] : memref<3x114688xf32, #tpu.memory_space<vmem>>, vector<3x114688xf32>
    %swap3A_19 = arith.constant 0 : index
    %swap3A_20 = arith.constant 0 : index
    %swap3A_21 = vector.load %arg8[%swap3A_19, %swap3A_20] : memref<3x114688xf32, #tpu.memory_space<vmem>>, vector<3x114688xf32>
    tpu.vector_store %arg8[%swap3A_19, %swap3A_20], %get3A_18 {strides = array<i32>} : memref<3x114688xf32, #tpu.memory_space<vmem>>, vector<3x114688xf32>,
    return
  }
  func.func @transform_0(%arg0: i32) -> (i32, i32) {
    %c0_i32 = arith.constant 0 : i32
    %c0_i32_0 = arith.constant 0 : i32
    return %c0_i32, %arg0 : i32, i32
  }
  func.func @transform_1(%arg0: i32) -> (i32, i32) {
    %c0_i32 = arith.constant 0 : i32
    %c0_i32_0 = arith.constant 0 : i32
    return %c0_i32, %arg0 : i32, i32
  }
  func.func @transform_2(%arg0: i32) -> (i32, i32) {
    %c0_i32 = arith.constant 0 : i32
    %c0_i32_0 = arith.constant 0 : i32
    return %c0_i32, %arg0 : i32, i32
  }
  func.func @transform_3(%arg0: i32) -> (i32, i32) {
    %c0_i32 = arith.constant 0 : i32
    %c0_i32_0 = arith.constant 0 : i32
    return %c0_i32, %arg0 : i32, i32
  }
  func.func @transform_4(%arg0: i32) -> (i32, i32) {
    %c0_i32 = arith.constant 0 : i32
    %c0_i32_0 = arith.constant 0 : i32
    return %c0_i32, %arg0 : i32, i32
  }
  func.func @transform_5(%arg0: i32) -> (i32, i32) {
    %c0_i32 = arith.constant 0 : i32
    %c0_i32_0 = arith.constant 0 : i32
    return %c0_i32, %arg0 : i32, i32
  }
  func.func @transform_6(%arg0: i32) -> (i32, i32) {
    %c0_i32 = arith.constant 0 : i32
    %c0_i32_0 = arith.constant 0 : i32
    return %c0_i32, %arg0 : i32, i32
  }
  func.func @transform_7(%arg0: i32) -> (i32, i32) {
    %c0_i32 = arith.constant 0 : i32
    %c0_i32_0 = arith.constant 0 : i32
    return %c0_i32, %arg0 : i32, i32
  }
}

</mosaic_0001>

<sc_bundles>
// kernel: kernel.4.cloned.1.call-start
scs
__scs_entry_jumppad:
0x0: {  	(pc) =	sbr.rel $0x88, $3  }
0x1: {  	(tag) =	ssettag $0x0;
	lr =	simm.s32 $0x1  }
0x2: {  	[smem:$0x3F9A] =	sst lr;
	_ =	strace $0xD0000000  }
0x3: {  	_ = 	snop  }
0x4: {  	_ = 	snop  }
0x5: {  	_ = 	snop  }
0x6: {  	_ = 	snop  }
0x7: {  	_ = 	snop  }
__scs_overlays_trampoline_lowered:
0x8: {  	[smem:$0x3FA9] =	sst s0  }
0x9: {  	[smem:$0x3FAA] =	sst s1  }
0xa: {  	[smem:$0x3FAB] =	sst s2  }
0xb: {  	[smem:$0x3FAC] =	sst s3  }
0xc: {  	[smem:$0x3FAD] =	sst s4  }
0xd: {  	[smem:$0x3FAE] =	sst s5  }
0xe: {  	[smem:$0x3FAF] =	sst s6  }
0xf: {  	[smem:$0x3FB0] =	sst s7  }
0x10: {  	[smem:$0x3FB1] =	sst s8  }
0x11: {  	[smem:$0x3FB2] =	sst s9;
	s0 =	simm.s32 @!p0 $0x0  }
0x12: {  	s1 =	sld [smem:$0x3F98];
	s0 =	simm.s32 @p0 $0x1  }
0x13: {  	[smem:$0x3FB3] =	sst s0;
	s0 =	simm.s32 @!p1 $0x0  }
0x14: {  	s2 =	sld [smem:$0x3F97];
	s0 =	simm.s32 @p1 $0x1  }
0x15: {  	[smem:$0x3FB4] =	sst s0;
	s0 =	simm.s32 @!p2 $0x0  }
0x16: {  	s3 =	sld [smem:$0x3FDB];
	s0 =	simm.s32 @p2 $0x1  }
0x17: {  	s4 =	simm.s32 $0x1BF5;
	[smem:$0x3FB6] =	sst s0  }
0x18: {  	s0 =	sld [smem:$0x3F99];
	_ =	swait.ge [sflag:s4], $0x0  }
0x19: {  	s7 =	sld [smem:$0x3F9A]  }
0x1a: {  	s8 =	sadd.s32 $0xFFFFE003, lr  }
0x1b: {  	s9 =	sadd.s32 $0xFFFFFEF7, lr;
	s5 =	simm.s32 $0xFFFFFFFF;
	p2 =	slt.u32 s8, $0xFFFFF086  }
0x1c: {  	p1 =	slt.u32 s9, $0xF7A;
	s5 =	simm.s32 @!p2 $0x0  }
0x1d: {  	s5 =	simm.s32 @p1 $0x1;
	p0 =	seq.s32 s7, s2  }
0x1e: {  	s7 =	smul.u32 @!p0 $0xF7A, s2;
	p2 =	seq.s32 @!p0 s5, $0x0  }
0x1f: {  	s9 =	smul.u32 $0xF7A, s1;
	s8 =	simm.s32 @!p0 $0x1BF5;
	p2 =	por !p2, p0  }
0x20: {  	[sflag:s8] =	ssyncset.s32 @!p0 $0xFFFFF086;
	s6 =	sadd.s32 @!p0 s3, s7;
	s7 =	simm.s32 @!p0 $0x108  }
0x21: {  	s3 =	sadd.s32 s3, s9;
	s6 =	sadd.s32 @!p0 $0x88, s6;
	s7 =	simm.s32 @p2 $0x1082  }
0x22: {  	[simem:s7], [sflag:s8] =	dma.local @!p0 [hbm:s6], $0xF7A  }
0x23: {  	s9 =	sor.u32 $0xD0000000, s2;
	s6 =	simm.s32 $0x108;
	_ =	swait.ge @!p0 [sflag:s8], $0x0  }
0x24: {  	s3 =	sadd.s32 $0x88, s3;
	s6 =	simm.s32 @!p1 $0x1082;
	[sflag:s4] =	ssyncset.s32 $0xFFFFF086  }
0x25: {  	[simem:s6], [sflag:s4] =	dma.local [hbm:s3], $0xF7A  }
0x26: {  	[smem:$0x3F9A] =	sst s1;
	(tag) =	ssettag s2;
	_ =	strace s9  }
0x27: {  	s1 =	sld [smem:$0x3FAA]  }
0x28: {  	s2 =	sld [smem:$0x3FAB]  }
0x29: {  	s4 =	sld [smem:$0x3FAD]  }
0x2a: {  	p0 =	seq.s32 s5, $0x0;
	s5 =	sld [smem:$0x3FAE]  }
0x2b: {  	s6 =	sld [smem:$0x3FAF]  }
0x2c: {  	s7 =	sld [smem:$0x3FB0]  }
0x2d: {  	s3 =	simm.s32 $0x108;
	s8 =	sld [smem:$0x3FB1]  }
0x2e: {  	s3 =	simm.s32 @!p0 $0x1082;
	s9 =	sld [smem:$0x3FB2]  }
0x2f: {  	lr =	sadd.s32 s0, s3;
	s0 =	sld [smem:$0x3FA9]  }
0x30: {  	s3 =	sld [smem:$0x3FAC]  }
0x31: {  	[smem:$0x3FB5] =	sst s10  }
0x32: {  	s10 =	sld [smem:$0x3FB3];
	_ =	sdelay $0x3  }
0x33: {  	p0 =	seq.s32 s10, $0x1;
	s10 =	sld [smem:$0x3FB5];
	_ =	sdelay $0x3  }
0x34: {  	[smem:$0x3FB5] =	sst s10  }
0x35: {  	s10 =	sld [smem:$0x3FB4];
	_ =	sdelay $0x3  }
0x36: {  	p1 =	seq.s32 s10, $0x1;
	s10 =	sld [smem:$0x3FB5];
	_ =	sdelay $0x3  }
0x37: {  	[smem:$0x3FB5] =	sst s10  }
0x38: {  	s10 =	sld [smem:$0x3FB6]  }
0x39: {  	_ = 	snop;
	(pc) =	sbr.ind lr, $3  }
0x3a: {  	_ = 	snop  }
0x3b: {  	_ = 	snop  }
0x3c: {  	p2 =	seq.s32 s10, $0x1;
	s10 =	sld [smem:$0x3FB5]  }
0x3d: {  	_ =	shalt  }
0x3e: {  	_ =	shalt  }
0x3f: {  	_ =	shalt  }
0x40: {  	_ =	shalt  }
0x41: {  	_ =	shalt  }
0x42: {  	_ =	shalt  }
0x43: {  	_ =	shalt  }
0x44: {  	_ =	shalt  }
0x45: {  	_ =	shalt  }
0x46: {  	_ =	shalt  }
0x47: {  	_ =	shalt  }
0x48: {  	_ =	shalt  }
0x49: {  	_ =	shalt  }
0x4a: {  	_ =	shalt  }
0x4b: {  	_ =	shalt  }
0x4c: {  	_ =	shalt  }
0x4d: {  	_ =	shalt  }
0x4e: {  	_ =	shalt  }
0x4f: {  	_ =	shalt  }
0x50: {  	_ =	shalt  }
0x51: {  	_ =	shalt  }
0x52: {  	_ =	shalt  }
0x53: {  	_ =	shalt  }
0x54: {  	_ =	shalt  }
0x55: {  	_ =	shalt  }
0x56: {  	_ =	shalt  }
0x57: {  	_ =	shalt  }
0x58: {  	_ =	shalt  }
0x59: {  	_ =	shalt  }
0x5a: {  	_ =	shalt  }
0x5b: {  	_ =	shalt  }
0x5c: {  	_ =	shalt  }
0x5d: {  	_ =	shalt  }
0x5e: {  	_ =	shalt  }
0x5f: {  	_ =	shalt  }
0x60: {  	_ =	shalt  }
0x61: {  	_ =	shalt  }
0x62: {  	_ =	shalt  }
0x63: {  	_ =	shalt  }
0x64: {  	_ =	shalt  }
0x65: {  	_ =	shalt  }
0x66: {  	_ =	shalt  }
0x67: {  	_ =	shalt  }
0x68: {  	_ =	shalt  }
0x69: {  	_ =	shalt  }
0x6a: {  	_ =	shalt  }
0x6b: {  	_ =	shalt  }
0x6c: {  	_ =	shalt  }
0x6d: {  	_ =	shalt  }
0x6e: {  	_ =	shalt  }
0x6f: {  	_ =	shalt  }
0x70: {  	_ =	shalt  }
0x71: {  	_ =	shalt  }
0x72: {  	_ =	shalt  }
0x73: {  	_ =	shalt  }
0x74: {  	_ =	shalt  }
0x75: {  	_ =	shalt  }
0x76: {  	_ =	shalt  }
0x77: {  	_ =	shalt  }
0x78: {  	_ =	shalt  }
0x79: {  	_ =	shalt  }
0x7a: {  	_ =	shalt  }
0x7b: {  	_ =	shalt  }
0x7c: {  	_ =	shalt  }
0x7d: {  	_ =	shalt  }
0x7e: {  	_ =	shalt  }
0x7f: {  	_ =	shalt  }
0x80: {  	_ =	shalt  }
0x81: {  	_ =	shalt  }
0x82: {  	_ =	shalt  }
0x83: {  	_ =	shalt  }
0x84: {  	_ =	shalt  }
0x85: {  	_ =	shalt  }
0x86: {  	_ =	shalt  }
0x87: {  	_ =	shalt  }
.Lfunc_end0:
.L_simem_size_0:
called_computation_lowered:
.L_overlay_start_0:
0x88: {  	s0 =	sld [smem:$0x3FD9]  }
0x89: {  	s1 =	sld [smem:$0x3FFE];
	_ =	sdelay $0x1  }
0x8a: {  	s2 =	srdreg.scid  }
0x8b: {  	s3 =	sand.u32 $0x1, s2  }
0x8c: {  	s26 =	sshll.u32 s3, $0xA;
	s0 =	sadd.s32 s1, s0  }
0x8d: {  	s0 =	sadd.s32 s0, s26  }
0x8e: {  	[smem:$0x3FC1] =	sst s0  }
0x8f: {  	_ = 	snop  }
0x90: {  	s0 =	sld [smem:$0x3FD0]  }
0x91: {  	s1 =	sld [smem:$0x3FC5]  }
0x92: {  	s4 =	sld [smem:$0x3FC4]  }
0x93: {  	s6 =	simm.s32 $0xB;
	s7 =	simm.s32 $0x10;
	s5 =	sld [smem:$0x3FC3]  }
0x94: {  	[smem:s7], [sflag:s6] =	dma.local [hbm:s0], $0x1  }
0x95: {  	_ =	swait.eq [sflag:s6], $0x1  }
0x96: {  	s0 =	sld [smem:$0x14];
	[sflag:s6] =	ssyncset.done $0x0  }
0x97: {  	s7 =	sld [smem:$0x15];
	[sflag:s6] =	ssyncadd.s32 $0xFFFFFFFF  }
0x98: {  	s6 =	sld [smem:$0x16];
	(tm) =	ssettm $0x1  }
0x99: {  	s8 =	sld [smem:$0x3FFB];
	_ =	sdelay $0x3  }
0x9a: {  	_ =	strace s8  }
0x9b: {  	s8 =	sld [smem:$0x3FFC];
	_ =	sdelay $0x3  }
0x9c: {  	_ =	strace s8  }
0x9d: {  	s8 =	sld [smem:$0x3FFD];
	_ =	sdelay $0x3  }
0x9e: {  	_ =	strace s8  }
0x9f: {  	s28 =	simm.s32 $0x1B8B;
	_ =	strace $0x8FFFFFFF  }
0xa0: {  	_ =	swait.ge [sflag:s28], $0x1  }
0xa1: {  	[sflag:s28] =	ssyncset.done $0x0  }
0xa2: {  	s29 =	simm.s32 $0x1B8E;
	[sflag:s28] =	ssyncadd.s32 $0xFFFFFFFF  }
0xa3: {  	[smem:$0x3FD2] =	sst s29  }
0xa4: {  	p0 =	seq.s32 s3, $0x1;
	s8 =	simm.s32 $0x9;
	_ =	strace $0x80000046  }
0xa5: {  	[hbm:s6], [sflag:s8] =	dma.local @p0 [hbm:s5], $0x1E850  }
0xa6: {  	s5 =	simm.s32 @p0 $0x9  }
0xa7: {  	_ =	swait.ge @p0 [sflag:s5], $0x1E850  }
0xa8: {  	[sflag:s5] =	ssyncset.done @p0 $0x0  }
0xa9: {  	[sflag:s5] =	ssyncadd.s32 @p0 $0xFFFE17B0  }
0xaa: {  	[hbm:s0], [sflag:s8] =	dma.local @!p0 [hbm:s1], $0x1E850  }
0xab: {  	s0 =	simm.s32 @!p0 $0xA;
	s1 =	simm.s32 @!p0 $0x9  }
0xac: {  	[hbm:s7], [sflag:s0] =	dma.local @!p0 [hbm:s4], $0x7A20  }
0xad: {  	_ =	swait.ge @!p0 [sflag:s1], $0x1E850  }
0xae: {  	[sflag:s1] =	ssyncset.done @!p0 $0x0  }
0xaf: {  	[sflag:s1] =	ssyncadd.s32 @!p0 $0xFFFE17B0;
	_ =	sdelay $0x2  }
0xb0: {  	_ =	swait.ge @!p0 [sflag:s0], $0x7A20  }
0xb1: {  	[sflag:s0] =	ssyncset.done @!p0 $0x0  }
0xb2: {  	[sflag:s0] =	ssyncadd.s32 @!p0 $0xFFFF85E0  }
0xb3: {  	_ =	strace $0x90000046  }
0xb4: {  	_ =	sfence  }
0xb5: {  	s30 =	sld [smem:$0x0];
	_ =	sdelay $0x2  }
0xb6: {  	s31 =	sshll.u32 s2, $0xD;
	s2 =	sshrl.u32 s2, $0x2  }
0xb7: {  	s1 =	sand.u32 $0x4000, s31;
	s0 =	sadd.s32 s2, s30  }
0xb8: {  	s1 =	sor.u32 s1, s3;
	s0 =	sshll.u32 s0, $0x11  }
0xb9: {  	s0 =	sor.u32 s0, s1  }
0xba: {  	s0 =	sadd.s32 $0x8F2B, s0;
	(pc) =	sbr.abs _section_cstart, $3  }
0xbb: {  	[sflag:s0] =	ssyncadd.remote.s32 $0x1  }
0xbc: {  	_ =	strace $0x9FFFFFFF  }
0xbd: {  	(tm) =	ssettm $0x7FFFFFFF  }

</sc_bundles>
